<compile_context>
chip_gen: v7x
topology: tpu7x:2x2x1
jax: 0.10.2.dev20260603
libtpu: 0.0.44.dev20260713+nightly
codegen_flags: <defaults>
</compile_context>

<pallas_src>
import functools
import math

import jax
import jax.numpy as jnp
from jax import lax
from jax.experimental import pallas as pl
from jax.experimental.pallas import tpu as pltpu
from jax.experimental.pallas import tpu_sc as plsc

_VOCAB = 32000
_PAD = 0
_SMOOTHING = 0.1
_CONF = 1.0 - _SMOOTHING
_EPS = _SMOOTHING / (_VOCAB - 2)
_K_CONST = _CONF * math.log(_CONF) + _SMOOTHING * math.log(_EPS)

_N = 4096
_BR = 128
_BC = 3200

_NC = 2
_NS = 16
_NW = _NC * _NS
_L = 16
_BPW = _N // _NW
_GW = 128
_ROWS_PER_TOKEN = _VOCAB // _GW


def _tc_body(t_ref, x_ref, out_ref):
    i = pl.program_id(0)
    j = pl.program_id(1)

    @pl.when(jnp.logical_and(i == 0, j == 0))
    def _init():
        out_ref[0, 0] = 0.0

    x = x_ref[...]
    t = t_ref[0, 0, :]
    validf = (t != _PAD).astype(jnp.float32)

    s_rows = jnp.sum(jnp.sum(x, axis=1) * validf)
    s_first = jnp.sum(x[:, 0] * validf) * _EPS + jnp.sum(validf) * _K_CONST
    extra = jnp.where(j == 0, s_first, 0.0)

    out_ref[0, 0] += extra - _EPS * s_rows


def _sc_body(pred_hbm, tgt_hbm, out_hbm, t_v, idx_v, rows_v, acc_v, sem):
    wid = lax.axis_index("s") * _NC + lax.axis_index("c")
    base = wid * _BPW
    pltpu.sync_copy(tgt_hbm.at[pl.ds(base, _BPW)], t_v)

    lanes = lax.iota(jnp.int32, _L)
    for k in range(_BPW // _L):
        t16 = t_v[pl.ds(k * _L, _L)]
        row = (base + k * _L + lanes) * _ROWS_PER_TOKEN + (t16 >> 7)
        idx_v[pl.ds(k * _L, _L)] = row
    pltpu.async_copy(pred_hbm.at[idx_v], rows_v, sem).wait()

    acc = jnp.zeros((_L,), jnp.float32)
    for k in range(_BPW // _L):
        t16 = t_v[pl.ds(k * _L, _L)]
        g = plsc.load_gather(rows_v, [k * _L + lanes, t16 & (_GW - 1)])
        acc = acc + jnp.where(t16 != _PAD, g, 0.0)
    acc_v[...] = acc
    pltpu.sync_copy(acc_v, out_hbm.at[wid])


_sc_gather = functools.partial(
    pl.kernel,
    mesh=plsc.VectorSubcoreMesh(core_axis_name="c", subcore_axis_name="s"),
    compiler_params=pltpu.CompilerParams(needs_layout_passes=False),
    out_type=jax.ShapeDtypeStruct((_NW, _L), jnp.float32),
    scratch_types=[
        pltpu.VMEM((_BPW,), jnp.int32),
        pltpu.VMEM((_BPW,), jnp.int32),
        pltpu.VMEM((_BPW, _GW), jnp.float32),
        pltpu.VMEM((_L,), jnp.float32),
        pltpu.SemaphoreType.DMA,
    ],
)(_sc_body)


def kernel(pred, target):
    t = target.astype(jnp.int32)
    sc_partials = _sc_gather(pred.reshape(-1, _GW), t)

    t3 = t.reshape(_N // _BR, 1, _BR)
    tc_out = pl.pallas_call(
        _tc_body,
        grid=(_N // _BR, _VOCAB // _BC),
        in_specs=[
            pl.BlockSpec((1, 1, _BR), lambda i, j: (i, 0, 0)),
            pl.BlockSpec((_BR, _BC), lambda i, j: (i, j)),
        ],
        out_specs=pl.BlockSpec(memory_space=pltpu.SMEM),
        out_shape=jax.ShapeDtypeStruct((1, 1), jnp.float32),
        compiler_params=pltpu.CompilerParams(
            dimension_semantics=("arbitrary", "arbitrary"),
        ),
    )(t3, pred)

    return tc_out[0, 0] - (_CONF - _EPS) * jnp.sum(sc_partials)

# --- scband reference (transcript-rebuilt; emitter-appended) ---
"""Pipeline reference for scband-label-smoothing-loss-46325517254688 (READ-ONLY COPY).

The authoritative reference and input builder live on the scoring server;
editing this copy changes nothing except your own understanding.
"""

import jax, jax.numpy as jnp
import numpy as np

VOCAB_SIZE = 32000
PAD_IDX = 0
SMOOTHING = 0.1
CONFIDENCE = 1.0 - SMOOTHING
N_TOKENS = 4096


def setup_inputs(seed: int = 0) -> dict:
    key = jax.random.key(seed)
    k1, k2 = jax.random.split(key)
    logits = jax.random.normal(k1, (N_TOKENS, VOCAB_SIZE), dtype=jnp.float32)
    # pred must be log-probabilities, as in the original module's contract
    pred = jax.nn.log_softmax(logits, axis=-1)
    target = jax.random.randint(k2, (N_TOKENS,), 0, VOCAB_SIZE, dtype=jnp.int64 if jax.config.jax_enable_x64 else jnp.int32)
    return {"pred": pred, "target": target}


def reference(pred, target):
    n = pred.shape[0]
    # smoothed target distribution
    true_dist = jnp.full_like(pred, SMOOTHING / (VOCAB_SIZE - 2))
    # scatter confidence onto the ground-truth index (scatter-overwrite)
    true_dist = true_dist.at[jnp.arange(n), target].set(CONFIDENCE)
    # zero out pad column
    true_dist = true_dist.at[:, PAD_IDX].set(0.0)
    # zero out rows whose target is the pad token (index_fill_ equivalent)
    true_dist = jnp.where((target == PAD_IDX)[:, None], 0.0, true_dist)
    # KLDivLoss(reduction='sum'): sum over target * (log(target) - input), with 0*log(0)=0
    safe = jnp.where(true_dist > 0, true_dist, 1.0)
    kl = jnp.where(true_dist > 0, true_dist * (jnp.log(safe) - pred), 0.0)
    return jnp.sum(kl)

if __name__ == "__main__":
    import jax
    _d = setup_inputs()
    print(jax.jit(kernel)(*tuple(_d.values())))

</pallas_src>

<mosaic_0001>
#map = affine_map<(d0, d1) -> (0, 0)>
#map1 = affine_map<(d0, d1) -> (0)>
module attributes {stable_mosaic.version = 14 : i64} {
  func.func @_sc_body(%arg0: i32, %arg1: i32, %arg2: memref<1024000x128xf32, #tpu.memory_space<hbm>>, %arg3: memref<4096xi32, #tpu.memory_space<hbm>>, %arg4: memref<32x16xf32, #tpu.memory_space<hbm>>, %arg5: memref<128xi32, #tpu.memory_space<vmem>>, %arg6: memref<128xi32, #tpu.memory_space<vmem>>, %arg7: memref<128x128xf32, #tpu.memory_space<vmem>>, %arg8: memref<16xf32, #tpu.memory_space<vmem>>, %arg9: memref<!tpu.dma_semaphore, #tpu.memory_space<semaphore_mem>>) attributes {dimension_semantics = [#tpu.dimension_semantics<core_parallel>, #tpu.dimension_semantics<subcore_parallel>], iteration_bounds = array<i64: 2, 16>, scalar_prefetch = 0 : i64, scratch_operands = 5 : i64, tpu.core_type = #tpu.core_type<sc_vector_subcore>, window_params = [{transform_indices = #map}, {transform_indices = #map1}, {transform_indices = #map}]} {
    %mul3A = arith.constant 2 : i32
    %mul3A_0 = arith.muli %arg1, %mul3A : i32
    %add3A = arith.addi %mul3A_0, %arg0 : i32
    %mul3A_1 = arith.constant 128 : i32
    %mul3A_2 = arith.muli %add3A, %mul3A_1 : i32
    "tpu.region"() ({
      %run_scoped3A = tpu.sem_alloc : memref<!tpu.dma_semaphore, #tpu.memory_space<semaphore_mem>>
      %dma_start3A_250 = tpu.memref_slice %arg3[%mul3A_2] : memref<4096xi32, #tpu.memory_space<hbm>> -> memref<128xi32, #tpu.memory_space<hbm>>
      %dma_start3A_251 = tpu.memref_slice %arg3[%mul3A_2] : memref<4096xi32, #tpu.memory_space<hbm>> -> memref<128xi32, #tpu.memory_space<hbm>>
      tpu.enqueue_dma source(%dma_start3A_251 : memref<128xi32, #tpu.memory_space<hbm>>) target(%arg5 : memref<128xi32, #tpu.memory_space<vmem>>) target_semaphore(%run_scoped3A : memref<!tpu.dma_semaphore, #tpu.memory_space<semaphore_mem>>)
      %dma_wait3A_252 = tpu.memref_slice %arg3[%mul3A_2] : memref<4096xi32, #tpu.memory_space<hbm>> -> memref<128xi32, #tpu.memory_space<hbm>>
      %dma_wait3A_253 = tpu.memref_slice %arg3[%mul3A_2] : memref<4096xi32, #tpu.memory_space<hbm>> -> memref<128xi32, #tpu.memory_space<hbm>>
      tpu.wait_dma2 semaphore(%run_scoped3A : memref<!tpu.dma_semaphore, #tpu.memory_space<semaphore_mem>>) src(%dma_wait3A_253 : memref<128xi32, #tpu.memory_space<hbm>>) dst(%arg5 : memref<128xi32, #tpu.memory_space<vmem>>)
      tpu.yield
    }) : () -> ()
    %iota3A = tpu.iota {dimensions = array<i32: 0>} : vector<16xi32>
    %get3A = arith.constant 0 : index
    %get3A_3 = tpu.vector_load %arg5[%get3A] {strides = array<i32>} : memref<128xi32, #tpu.memory_space<vmem>>, vector<16xi32>,
    %add3A_4 = arith.constant 0 : i32
    %add3A_5 = arith.addi %mul3A_2, %add3A_4 : i32
    %add3A_6 = vector.broadcast %add3A_5 : i32 to vector<16xi32>
    %add3A_7 = arith.addi %add3A_6, %iota3A : vector<16xi32>
    %mul3A_8 = arith.constant 250 : i32
    %mul3A_9 = vector.broadcast %mul3A_8 : i32 to vector<16xi32>
    %mul3A_10 = arith.muli %add3A_7, %mul3A_9 : vector<16xi32>
    %shift_right_arithmetic3A = arith.constant 7 : i32
    %shift_right_arithmetic3A_11 = vector.broadcast %shift_right_arithmetic3A : i32 to vector<16xi32>
    %shift_right_arithmetic3A_12 = arith.shrsi %get3A_3, %shift_right_arithmetic3A_11 : vector<16xi32>
    %add3A_13 = arith.addi %mul3A_10, %shift_right_arithmetic3A_12 : vector<16xi32>
    %swap3A = arith.constant 0 : index
    %swap3A_14 = tpu.vector_load %arg6[%swap3A] {strides = array<i32>} : memref<128xi32, #tpu.memory_space<vmem>>, vector<16xi32>,
    tpu.vector_store %arg6[%swap3A], %add3A_13 {strides = array<i32>} : memref<128xi32, #tpu.memory_space<vmem>>, vector<16xi32>,
    %get3A_15 = arith.constant 16 : index
    %get3A_16 = tpu.vector_load %arg5[%get3A_15] {strides = array<i32>} : memref<128xi32, #tpu.memory_space<vmem>>, vector<16xi32>,
    %add3A_17 = arith.constant 16 : i32
    %add3A_18 = arith.addi %mul3A_2, %add3A_17 : i32
    %add3A_19 = vector.broadcast %add3A_18 : i32 to vector<16xi32>
    %add3A_20 = arith.addi %add3A_19, %iota3A : vector<16xi32>
    %mul3A_21 = arith.constant 250 : i32
    %mul3A_22 = vector.broadcast %mul3A_21 : i32 to vector<16xi32>
    %mul3A_23 = arith.muli %add3A_20, %mul3A_22 : vector<16xi32>
    %shift_right_arithmetic3A_24 = arith.constant 7 : i32
    %shift_right_arithmetic3A_25 = vector.broadcast %shift_right_arithmetic3A_24 : i32 to vector<16xi32>
    %shift_right_arithmetic3A_26 = arith.shrsi %get3A_16, %shift_right_arithmetic3A_25 : vector<16xi32>
    %add3A_27 = arith.addi %mul3A_23, %shift_right_arithmetic3A_26 : vector<16xi32>
    %swap3A_28 = arith.constant 16 : index
    %swap3A_29 = tpu.vector_load %arg6[%swap3A_28] {strides = array<i32>} : memref<128xi32, #tpu.memory_space<vmem>>, vector<16xi32>,
    tpu.vector_store %arg6[%swap3A_28], %add3A_27 {strides = array<i32>} : memref<128xi32, #tpu.memory_space<vmem>>, vector<16xi32>,
    %get3A_30 = arith.constant 32 : index
    %get3A_31 = tpu.vector_load %arg5[%get3A_30] {strides = array<i32>} : memref<128xi32, #tpu.memory_space<vmem>>, vector<16xi32>,
    %add3A_32 = arith.constant 32 : i32
    %add3A_33 = arith.addi %mul3A_2, %add3A_32 : i32
    %add3A_34 = vector.broadcast %add3A_33 : i32 to vector<16xi32>
    %add3A_35 = arith.addi %add3A_34, %iota3A : vector<16xi32>
    %mul3A_36 = arith.constant 250 : i32
    %mul3A_37 = vector.broadcast %mul3A_36 : i32 to vector<16xi32>
    %mul3A_38 = arith.muli %add3A_35, %mul3A_37 : vector<16xi32>
    %shift_right_arithmetic3A_39 = arith.constant 7 : i32
    %shift_right_arithmetic3A_40 = vector.broadcast %shift_right_arithmetic3A_39 : i32 to vector<16xi32>
    %shift_right_arithmetic3A_41 = arith.shrsi %get3A_31, %shift_right_arithmetic3A_40 : vector<16xi32>
    %add3A_42 = arith.addi %mul3A_38, %shift_right_arithmetic3A_41 : vector<16xi32>
    %swap3A_43 = arith.constant 32 : index
    %swap3A_44 = tpu.vector_load %arg6[%swap3A_43] {strides = array<i32>} : memref<128xi32, #tpu.memory_space<vmem>>, vector<16xi32>,
    tpu.vector_store %arg6[%swap3A_43], %add3A_42 {strides = array<i32>} : memref<128xi32, #tpu.memory_space<vmem>>, vector<16xi32>,
    %get3A_45 = arith.constant 48 : index
    %get3A_46 = tpu.vector_load %arg5[%get3A_45] {strides = array<i32>} : memref<128xi32, #tpu.memory_space<vmem>>, vector<16xi32>,
    %add3A_47 = arith.constant 48 : i32
    %add3A_48 = arith.addi %mul3A_2, %add3A_47 : i32
    %add3A_49 = vector.broadcast %add3A_48 : i32 to vector<16xi32>
    %add3A_50 = arith.addi %add3A_49, %iota3A : vector<16xi32>
    %mul3A_51 = arith.constant 250 : i32
    %mul3A_52 = vector.broadcast %mul3A_51 : i32 to vector<16xi32>
    %mul3A_53 = arith.muli %add3A_50, %mul3A_52 : vector<16xi32>
    %shift_right_arithmetic3A_54 = arith.constant 7 : i32
    %shift_right_arithmetic3A_55 = vector.broadcast %shift_right_arithmetic3A_54 : i32 to vector<16xi32>
    %shift_right_arithmetic3A_56 = arith.shrsi %get3A_46, %shift_right_arithmetic3A_55 : vector<16xi32>
    %add3A_57 = arith.addi %mul3A_53, %shift_right_arithmetic3A_56 : vector<16xi32>
    %swap3A_58 = arith.constant 48 : index
    %swap3A_59 = tpu.vector_load %arg6[%swap3A_58] {strides = array<i32>} : memref<128xi32, #tpu.memory_space<vmem>>, vector<16xi32>,
    tpu.vector_store %arg6[%swap3A_58], %add3A_57 {strides = array<i32>} : memref<128xi32, #tpu.memory_space<vmem>>, vector<16xi32>,
    %get3A_60 = arith.constant 64 : index
    %get3A_61 = tpu.vector_load %arg5[%get3A_60] {strides = array<i32>} : memref<128xi32, #tpu.memory_space<vmem>>, vector<16xi32>,
    %add3A_62 = arith.constant 64 : i32
    %add3A_63 = arith.addi %mul3A_2, %add3A_62 : i32
    %add3A_64 = vector.broadcast %add3A_63 : i32 to vector<16xi32>
    %add3A_65 = arith.addi %add3A_64, %iota3A : vector<16xi32>
    %mul3A_66 = arith.constant 250 : i32
    %mul3A_67 = vector.broadcast %mul3A_66 : i32 to vector<16xi32>
    %mul3A_68 = arith.muli %add3A_65, %mul3A_67 : vector<16xi32>
    %shift_right_arithmetic3A_69 = arith.constant 7 : i32
    %shift_right_arithmetic3A_70 = vector.broadcast %shift_right_arithmetic3A_69 : i32 to vector<16xi32>
    %shift_right_arithmetic3A_71 = arith.shrsi %get3A_61, %shift_right_arithmetic3A_70 : vector<16xi32>
    %add3A_72 = arith.addi %mul3A_68, %shift_right_arithmetic3A_71 : vector<16xi32>
    %swap3A_73 = arith.constant 64 : index
    %swap3A_74 = tpu.vector_load %arg6[%swap3A_73] {strides = array<i32>} : memref<128xi32, #tpu.memory_space<vmem>>, vector<16xi32>,
    tpu.vector_store %arg6[%swap3A_73], %add3A_72 {strides = array<i32>} : memref<128xi32, #tpu.memory_space<vmem>>, vector<16xi32>,
    %get3A_75 = arith.constant 80 : index
    %get3A_76 = tpu.vector_load %arg5[%get3A_75] {strides = array<i32>} : memref<128xi32, #tpu.memory_space<vmem>>, vector<16xi32>,
    %add3A_77 = arith.constant 80 : i32
    %add3A_78 = arith.addi %mul3A_2, %add3A_77 : i32
    %add3A_79 = vector.broadcast %add3A_78 : i32 to vector<16xi32>
    %add3A_80 = arith.addi %add3A_79, %iota3A : vector<16xi32>
    %mul3A_81 = arith.constant 250 : i32
    %mul3A_82 = vector.broadcast %mul3A_81 : i32 to vector<16xi32>
    %mul3A_83 = arith.muli %add3A_80, %mul3A_82 : vector<16xi32>
    %shift_right_arithmetic3A_84 = arith.constant 7 : i32
    %shift_right_arithmetic3A_85 = vector.broadcast %shift_right_arithmetic3A_84 : i32 to vector<16xi32>
    %shift_right_arithmetic3A_86 = arith.shrsi %get3A_76, %shift_right_arithmetic3A_85 : vector<16xi32>
    %add3A_87 = arith.addi %mul3A_83, %shift_right_arithmetic3A_86 : vector<16xi32>
    %swap3A_88 = arith.constant 80 : index
    %swap3A_89 = tpu.vector_load %arg6[%swap3A_88] {strides = array<i32>} : memref<128xi32, #tpu.memory_space<vmem>>, vector<16xi32>,
    tpu.vector_store %arg6[%swap3A_88], %add3A_87 {strides = array<i32>} : memref<128xi32, #tpu.memory_space<vmem>>, vector<16xi32>,
    %get3A_90 = arith.constant 96 : index
    %get3A_91 = tpu.vector_load %arg5[%get3A_90] {strides = array<i32>} : memref<128xi32, #tpu.memory_space<vmem>>, vector<16xi32>,
    %add3A_92 = arith.constant 96 : i32
    %add3A_93 = arith.addi %mul3A_2, %add3A_92 : i32
    %add3A_94 = vector.broadcast %add3A_93 : i32 to vector<16xi32>
    %add3A_95 = arith.addi %add3A_94, %iota3A : vector<16xi32>
    %mul3A_96 = arith.constant 250 : i32
    %mul3A_97 = vector.broadcast %mul3A_96 : i32 to vector<16xi32>
    %mul3A_98 = arith.muli %add3A_95, %mul3A_97 : vector<16xi32>
    %shift_right_arithmetic3A_99 = arith.constant 7 : i32
    %shift_right_arithmetic3A_100 = vector.broadcast %shift_right_arithmetic3A_99 : i32 to vector<16xi32>
    %shift_right_arithmetic3A_101 = arith.shrsi %get3A_91, %shift_right_arithmetic3A_100 : vector<16xi32>
    %add3A_102 = arith.addi %mul3A_98, %shift_right_arithmetic3A_101 : vector<16xi32>
    %swap3A_103 = arith.constant 96 : index
    %swap3A_104 = tpu.vector_load %arg6[%swap3A_103] {strides = array<i32>} : memref<128xi32, #tpu.memory_space<vmem>>, vector<16xi32>,
    tpu.vector_store %arg6[%swap3A_103], %add3A_102 {strides = array<i32>} : memref<128xi32, #tpu.memory_space<vmem>>, vector<16xi32>,
    %get3A_105 = arith.constant 112 : index
    %get3A_106 = tpu.vector_load %arg5[%get3A_105] {strides = array<i32>} : memref<128xi32, #tpu.memory_space<vmem>>, vector<16xi32>,
    %add3A_107 = arith.constant 112 : i32
    %add3A_108 = arith.addi %mul3A_2, %add3A_107 : i32
    %add3A_109 = vector.broadcast %add3A_108 : i32 to vector<16xi32>
    %add3A_110 = arith.addi %add3A_109, %iota3A : vector<16xi32>
    %mul3A_111 = arith.constant 250 : i32
    %mul3A_112 = vector.broadcast %mul3A_111 : i32 to vector<16xi32>
    %mul3A_113 = arith.muli %add3A_110, %mul3A_112 : vector<16xi32>
    %shift_right_arithmetic3A_114 = arith.constant 7 : i32
    %shift_right_arithmetic3A_115 = vector.broadcast %shift_right_arithmetic3A_114 : i32 to vector<16xi32>
    %shift_right_arithmetic3A_116 = arith.shrsi %get3A_106, %shift_right_arithmetic3A_115 : vector<16xi32>
    %add3A_117 = arith.addi %mul3A_113, %shift_right_arithmetic3A_116 : vector<16xi32>
    %swap3A_118 = arith.constant 112 : index
    %swap3A_119 = tpu.vector_load %arg6[%swap3A_118] {strides = array<i32>} : memref<128xi32, #tpu.memory_space<vmem>>, vector<16xi32>,
    tpu.vector_store %arg6[%swap3A_118], %add3A_117 {strides = array<i32>} : memref<128xi32, #tpu.memory_space<vmem>>, vector<16xi32>,
    %dma_start3A = arith.constant 0 : i32
    %dma_start3A_120 = arith.constant 0 : i32
    %dma_start3A_121 = tpu.memref_slice %arg2[%dma_start3A, %dma_start3A_120] : memref<1024000x128xf32, #tpu.memory_space<hbm>> -> memref<1024000x128xf32, #tpu.memory_space<hbm>>
    tpu.enqueue_indirect_dma source(%dma_start3A_121 : memref<1024000x128xf32, #tpu.memory_space<hbm>>) target(%arg7 : memref<128x128xf32, #tpu.memory_space<vmem>>) offsets(%arg6 : memref<128xi32, #tpu.memory_space<vmem>>) semaphore(%arg9 : memref<!tpu.dma_semaphore, #tpu.memory_space<semaphore_mem>>)
    %dma_wait3A = arith.constant 0 : i32
    %dma_wait3A_122 = arith.constant 0 : i32
    %dma_wait3A_123 = tpu.memref_slice %arg2[%dma_wait3A, %dma_wait3A_122] : memref<1024000x128xf32, #tpu.memory_space<hbm>> -> memref<1024000x128xf32, #tpu.memory_space<hbm>>
    tpu.wait_indirect_dma semaphore(%arg9 : memref<!tpu.dma_semaphore, #tpu.memory_space<semaphore_mem>>) src(%dma_wait3A_123 : memref<1024000x128xf32, #tpu.memory_space<hbm>>) dst(%arg7 : memref<128x128xf32, #tpu.memory_space<vmem>>)
    %broadcast_in_dim3A = arith.constant 0.000000e+00 : f32
    %broadcast_in_dim3A_124 = vector.broadcast %broadcast_in_dim3A : f32 to vector<16xf32>
    %get3A_125 = arith.constant 0 : index
    %get3A_126 = tpu.vector_load %arg5[%get3A_125] {strides = array<i32>} : memref<128xi32, #tpu.memory_space<vmem>>, vector<16xi32>,
    %add3A_127 = arith.constant 0 : i32
    %add3A_128 = vector.broadcast %add3A_127 : i32 to vector<16xi32>
    %add3A_129 = arith.addi %add3A_128, %iota3A : vector<16xi32>
    %and3A = arith.constant 127 : i32
    %and3A_130 = vector.broadcast %and3A : i32 to vector<16xi32>
    %and3A_131 = arith.andi %get3A_126, %and3A_130 : vector<16xi32>
    %gather3A = tpu.vector_load_idx %arg7[%add3A_129, %and3A_131] : memref<128x128xf32, #tpu.memory_space<vmem>>[vector<16xi32>, vector<16xi32>], vector<16xf32>,
    %ne3A = arith.constant 0 : i32
    %ne3A_132 = vector.broadcast %ne3A : i32 to vector<16xi32>
    %ne3A_133 = arith.cmpi ne, %get3A_126, %ne3A_132 : vector<16xi32>
    %jit3A = arith.constant 0.000000e+00 : f32
    %broadcast_in_dim3A_134 = vector.broadcast %jit3A : f32 to vector<16xf32>
    %select_n3A = arith.select %ne3A_133, %gather3A, %broadcast_in_dim3A_134 : vector<16xi1>, vector<16xf32>
    %add3A_135 = arith.addf %broadcast_in_dim3A_124, %select_n3A : vector<16xf32>
    %get3A_136 = arith.constant 16 : index
    %get3A_137 = tpu.vector_load %arg5[%get3A_136] {strides = array<i32>} : memref<128xi32, #tpu.memory_space<vmem>>, vector<16xi32>,
    %add3A_138 = arith.constant 16 : i32
    %add3A_139 = vector.broadcast %add3A_138 : i32 to vector<16xi32>
    %add3A_140 = arith.addi %add3A_139, %iota3A : vector<16xi32>
    %and3A_141 = arith.constant 127 : i32
    %and3A_142 = vector.broadcast %and3A_141 : i32 to vector<16xi32>
    %and3A_143 = arith.andi %get3A_137, %and3A_142 : vector<16xi32>
    %gather3A_144 = tpu.vector_load_idx %arg7[%add3A_140, %and3A_143] : memref<128x128xf32, #tpu.memory_space<vmem>>[vector<16xi32>, vector<16xi32>], vector<16xf32>,
    %ne3A_145 = arith.constant 0 : i32
    %ne3A_146 = vector.broadcast %ne3A_145 : i32 to vector<16xi32>
    %ne3A_147 = arith.cmpi ne, %get3A_137, %ne3A_146 : vector<16xi32>
    %jit3A_148 = arith.constant 0.000000e+00 : f32
    %broadcast_in_dim3A_149 = vector.broadcast %jit3A_148 : f32 to vector<16xf32>
    %select_n3A_150 = arith.select %ne3A_147, %gather3A_144, %broadcast_in_dim3A_149 : vector<16xi1>, vector<16xf32>
    %add3A_151 = arith.addf %add3A_135, %select_n3A_150 : vector<16xf32>
    %get3A_152 = arith.constant 32 : index
    %get3A_153 = tpu.vector_load %arg5[%get3A_152] {strides = array<i32>} : memref<128xi32, #tpu.memory_space<vmem>>, vector<16xi32>,
    %add3A_154 = arith.constant 32 : i32
    %add3A_155 = vector.broadcast %add3A_154 : i32 to vector<16xi32>
    %add3A_156 = arith.addi %add3A_155, %iota3A : vector<16xi32>
    %and3A_157 = arith.constant 127 : i32
    %and3A_158 = vector.broadcast %and3A_157 : i32 to vector<16xi32>
    %and3A_159 = arith.andi %get3A_153, %and3A_158 : vector<16xi32>
    %gather3A_160 = tpu.vector_load_idx %arg7[%add3A_156, %and3A_159] : memref<128x128xf32, #tpu.memory_space<vmem>>[vector<16xi32>, vector<16xi32>], vector<16xf32>,
    %ne3A_161 = arith.constant 0 : i32
    %ne3A_162 = vector.broadcast %ne3A_161 : i32 to vector<16xi32>
    %ne3A_163 = arith.cmpi ne, %get3A_153, %ne3A_162 : vector<16xi32>
    %jit3A_164 = arith.constant 0.000000e+00 : f32
    %broadcast_in_dim3A_165 = vector.broadcast %jit3A_164 : f32 to vector<16xf32>
    %select_n3A_166 = arith.select %ne3A_163, %gather3A_160, %broadcast_in_dim3A_165 : vector<16xi1>, vector<16xf32>
    %add3A_167 = arith.addf %add3A_151, %select_n3A_166 : vector<16xf32>
    %get3A_168 = arith.constant 48 : index
    %get3A_169 = tpu.vector_load %arg5[%get3A_168] {strides = array<i32>} : memref<128xi32, #tpu.memory_space<vmem>>, vector<16xi32>,
    %add3A_170 = arith.constant 48 : i32
    %add3A_171 = vector.broadcast %add3A_170 : i32 to vector<16xi32>
    %add3A_172 = arith.addi %add3A_171, %iota3A : vector<16xi32>
    %and3A_173 = arith.constant 127 : i32
    %and3A_174 = vector.broadcast %and3A_173 : i32 to vector<16xi32>
    %and3A_175 = arith.andi %get3A_169, %and3A_174 : vector<16xi32>
    %gather3A_176 = tpu.vector_load_idx %arg7[%add3A_172, %and3A_175] : memref<128x128xf32, #tpu.memory_space<vmem>>[vector<16xi32>, vector<16xi32>], vector<16xf32>,
    %ne3A_177 = arith.constant 0 : i32
    %ne3A_178 = vector.broadcast %ne3A_177 : i32 to vector<16xi32>
    %ne3A_179 = arith.cmpi ne, %get3A_169, %ne3A_178 : vector<16xi32>
    %jit3A_180 = arith.constant 0.000000e+00 : f32
    %broadcast_in_dim3A_181 = vector.broadcast %jit3A_180 : f32 to vector<16xf32>
    %select_n3A_182 = arith.select %ne3A_179, %gather3A_176, %broadcast_in_dim3A_181 : vector<16xi1>, vector<16xf32>
    %add3A_183 = arith.addf %add3A_167, %select_n3A_182 : vector<16xf32>
    %get3A_184 = arith.constant 64 : index
    %get3A_185 = tpu.vector_load %arg5[%get3A_184] {strides = array<i32>} : memref<128xi32, #tpu.memory_space<vmem>>, vector<16xi32>,
    %add3A_186 = arith.constant 64 : i32
    %add3A_187 = vector.broadcast %add3A_186 : i32 to vector<16xi32>
    %add3A_188 = arith.addi %add3A_187, %iota3A : vector<16xi32>
    %and3A_189 = arith.constant 127 : i32
    %and3A_190 = vector.broadcast %and3A_189 : i32 to vector<16xi32>
    %and3A_191 = arith.andi %get3A_185, %and3A_190 : vector<16xi32>
    %gather3A_192 = tpu.vector_load_idx %arg7[%add3A_188, %and3A_191] : memref<128x128xf32, #tpu.memory_space<vmem>>[vector<16xi32>, vector<16xi32>], vector<16xf32>,
    %ne3A_193 = arith.constant 0 : i32
    %ne3A_194 = vector.broadcast %ne3A_193 : i32 to vector<16xi32>
    %ne3A_195 = arith.cmpi ne, %get3A_185, %ne3A_194 : vector<16xi32>
    %jit3A_196 = arith.constant 0.000000e+00 : f32
    %broadcast_in_dim3A_197 = vector.broadcast %jit3A_196 : f32 to vector<16xf32>
    %select_n3A_198 = arith.select %ne3A_195, %gather3A_192, %broadcast_in_dim3A_197 : vector<16xi1>, vector<16xf32>
    %add3A_199 = arith.addf %add3A_183, %select_n3A_198 : vector<16xf32>
    %get3A_200 = arith.constant 80 : index
    %get3A_201 = tpu.vector_load %arg5[%get3A_200] {strides = array<i32>} : memref<128xi32, #tpu.memory_space<vmem>>, vector<16xi32>,
    %add3A_202 = arith.constant 80 : i32
    %add3A_203 = vector.broadcast %add3A_202 : i32 to vector<16xi32>
    %add3A_204 = arith.addi %add3A_203, %iota3A : vector<16xi32>
    %and3A_205 = arith.constant 127 : i32
    %and3A_206 = vector.broadcast %and3A_205 : i32 to vector<16xi32>
    %and3A_207 = arith.andi %get3A_201, %and3A_206 : vector<16xi32>
    %gather3A_208 = tpu.vector_load_idx %arg7[%add3A_204, %and3A_207] : memref<128x128xf32, #tpu.memory_space<vmem>>[vector<16xi32>, vector<16xi32>], vector<16xf32>,
    %ne3A_209 = arith.constant 0 : i32
    %ne3A_210 = vector.broadcast %ne3A_209 : i32 to vector<16xi32>
    %ne3A_211 = arith.cmpi ne, %get3A_201, %ne3A_210 : vector<16xi32>
    %jit3A_212 = arith.constant 0.000000e+00 : f32
    %broadcast_in_dim3A_213 = vector.broadcast %jit3A_212 : f32 to vector<16xf32>
    %select_n3A_214 = arith.select %ne3A_211, %gather3A_208, %broadcast_in_dim3A_213 : vector<16xi1>, vector<16xf32>
    %add3A_215 = arith.addf %add3A_199, %select_n3A_214 : vector<16xf32>
    %get3A_216 = arith.constant 96 : index
    %get3A_217 = tpu.vector_load %arg5[%get3A_216] {strides = array<i32>} : memref<128xi32, #tpu.memory_space<vmem>>, vector<16xi32>,
    %add3A_218 = arith.constant 96 : i32
    %add3A_219 = vector.broadcast %add3A_218 : i32 to vector<16xi32>
    %add3A_220 = arith.addi %add3A_219, %iota3A : vector<16xi32>
    %and3A_221 = arith.constant 127 : i32
    %and3A_222 = vector.broadcast %and3A_221 : i32 to vector<16xi32>
    %and3A_223 = arith.andi %get3A_217, %and3A_222 : vector<16xi32>
    %gather3A_224 = tpu.vector_load_idx %arg7[%add3A_220, %and3A_223] : memref<128x128xf32, #tpu.memory_space<vmem>>[vector<16xi32>, vector<16xi32>], vector<16xf32>,
    %ne3A_225 = arith.constant 0 : i32
    %ne3A_226 = vector.broadcast %ne3A_225 : i32 to vector<16xi32>
    %ne3A_227 = arith.cmpi ne, %get3A_217, %ne3A_226 : vector<16xi32>
    %jit3A_228 = arith.constant 0.000000e+00 : f32
    %broadcast_in_dim3A_229 = vector.broadcast %jit3A_228 : f32 to vector<16xf32>
    %select_n3A_230 = arith.select %ne3A_227, %gather3A_224, %broadcast_in_dim3A_229 : vector<16xi1>, vector<16xf32>
    %add3A_231 = arith.addf %add3A_215, %select_n3A_230 : vector<16xf32>
    %get3A_232 = arith.constant 112 : index
    %get3A_233 = tpu.vector_load %arg5[%get3A_232] {strides = array<i32>} : memref<128xi32, #tpu.memory_space<vmem>>, vector<16xi32>,
    %add3A_234 = arith.constant 112 : i32
    %add3A_235 = vector.broadcast %add3A_234 : i32 to vector<16xi32>
    %add3A_236 = arith.addi %add3A_235, %iota3A : vector<16xi32>
    %and3A_237 = arith.constant 127 : i32
    %and3A_238 = vector.broadcast %and3A_237 : i32 to vector<16xi32>
    %and3A_239 = arith.andi %get3A_233, %and3A_238 : vector<16xi32>
    %gather3A_240 = tpu.vector_load_idx %arg7[%add3A_236, %and3A_239] : memref<128x128xf32, #tpu.memory_space<vmem>>[vector<16xi32>, vector<16xi32>], vector<16xf32>,
    %ne3A_241 = arith.constant 0 : i32
    %ne3A_242 = vector.broadcast %ne3A_241 : i32 to vector<16xi32>
    %ne3A_243 = arith.cmpi ne, %get3A_233, %ne3A_242 : vector<16xi32>
    %jit3A_244 = arith.constant 0.000000e+00 : f32
    %broadcast_in_dim3A_245 = vector.broadcast %jit3A_244 : f32 to vector<16xf32>
    %select_n3A_246 = arith.select %ne3A_243, %gather3A_240, %broadcast_in_dim3A_245 : vector<16xi1>, vector<16xf32>
    %add3A_247 = arith.addf %add3A_231, %select_n3A_246 : vector<16xf32>
    %swap3A_248 = arith.constant 0 : index
    %swap3A_249 = tpu.vector_load %arg8[%swap3A_248] {strides = array<i32>} : memref<16xf32, #tpu.memory_space<vmem>>, vector<16xf32>,
    tpu.vector_store %arg8[%swap3A_248], %add3A_247 {strides = array<i32>} : memref<16xf32, #tpu.memory_space<vmem>>, vector<16xf32>,
    "tpu.region"() ({
      %run_scoped3A = tpu.sem_alloc : memref<!tpu.dma_semaphore, #tpu.memory_space<semaphore_mem>>
      %dma_start3A_250 = arith.constant 0 : i32
      %dma_start3A_251 = tpu.memref_slice %arg4[%add3A, %dma_start3A_250] : memref<32x16xf32, #tpu.memory_space<hbm>> -> memref<1x16xf32, #tpu.memory_space<hbm>>
      %dma_start3A_252 = tpu.memref_squeeze %dma_start3A_251 : memref<1x16xf32, #tpu.memory_space<hbm>> -> memref<16xf32, #tpu.memory_space<hbm>>
      %dma_start3A_253 = arith.constant 0 : i32
      %dma_start3A_254 = tpu.memref_slice %arg4[%add3A, %dma_start3A_253] : memref<32x16xf32, #tpu.memory_space<hbm>> -> memref<1x16xf32, #tpu.memory_space<hbm>>
      %dma_start3A_255 = tpu.memref_squeeze %dma_start3A_254 : memref<1x16xf32, #tpu.memory_space<hbm>> -> memref<16xf32, #tpu.memory_space<hbm>>
      tpu.enqueue_dma source(%arg8 : memref<16xf32, #tpu.memory_space<vmem>>) target(%dma_start3A_255 : memref<16xf32, #tpu.memory_space<hbm>>) target_semaphore(%run_scoped3A : memref<!tpu.dma_semaphore, #tpu.memory_space<semaphore_mem>>)
      %dma_wait3A_256 = arith.constant 0 : i32
      %dma_wait3A_257 = tpu.memref_slice %arg4[%add3A, %dma_wait3A_256] : memref<32x16xf32, #tpu.memory_space<hbm>> -> memref<1x16xf32, #tpu.memory_space<hbm>>
      %dma_wait3A_258 = tpu.memref_squeeze %dma_wait3A_257 : memref<1x16xf32, #tpu.memory_space<hbm>> -> memref<16xf32, #tpu.memory_space<hbm>>
      %dma_wait3A_259 = arith.constant 0 : i32
      %dma_wait3A_260 = tpu.memref_slice %arg4[%add3A, %dma_wait3A_259] : memref<32x16xf32, #tpu.memory_space<hbm>> -> memref<1x16xf32, #tpu.memory_space<hbm>>
      %dma_wait3A_261 = tpu.memref_squeeze %dma_wait3A_260 : memref<1x16xf32, #tpu.memory_space<hbm>> -> memref<16xf32, #tpu.memory_space<hbm>>
      tpu.wait_dma2 semaphore(%run_scoped3A : memref<!tpu.dma_semaphore, #tpu.memory_space<semaphore_mem>>) src(%arg8 : memref<16xf32, #tpu.memory_space<vmem>>) dst(%dma_wait3A_261 : memref<16xf32, #tpu.memory_space<hbm>>)
      tpu.yield
    }) : () -> ()
    return
  }
}

module attributes {stable_mosaic.version = 14 : i64} {
  func.func @_tc_body(%arg0: i32, %arg1: i32, %arg2: memref<1x1x128xi32, #tpu.memory_space<vmem>>, %arg3: memref<128x3200xf32, #tpu.memory_space<vmem>>, %arg4: memref<1x1xf32, #tpu.memory_space<smem>>) attributes {dimension_semantics = [#tpu.dimension_semantics<arbitrary>, #tpu.dimension_semantics<arbitrary>], iteration_bounds = array<i64: 32, 10>, scalar_prefetch = 0 : i64, scratch_operands = 0 : i64, tpu.core_type = #tpu.core_type<tc>, window_params = [{transform_indices = @transform_0, window_bounds = array<i64: 1, 1, 128>}, {transform_indices = @transform_1, window_bounds = array<i64: 128, 3200>}, {transform_indices = @transform_2, window_bounds = array<i64: 1, 1>}]} {
    %eq3A = arith.constant 0 : i32
    %eq3A_0 = arith.cmpi eq, %arg0, %eq3A : i32
    %eq3A_1 = arith.constant 0 : i32
    %eq3A_2 = arith.cmpi eq, %arg1, %eq3A_1 : i32
    %and3A = arith.andi %eq3A_0, %eq3A_2 : i1
    %convert_element_type3A = arith.extui %and3A : i1 to i32
    %cond3A = arith.constant 0 : i32
    %cond3A_3 = arith.cmpi ne, %convert_element_type3A, %cond3A : i32
    scf.if %cond3A_3 {
      %swap3A_46 = arith.constant 0.000000e+00 : f32
      %swap3A_47 = arith.constant 0 : index
      %swap3A_48 = arith.constant 0 : index
      %swap3A_49 = memref.load %arg4[%swap3A_47, %swap3A_48] : memref<1x1xf32, #tpu.memory_space<smem>>
      memref.store %swap3A_46, %arg4[%swap3A_47, %swap3A_48] : memref<1x1xf32, #tpu.memory_space<smem>>
    } else {
    }
    %get3A = arith.constant 0 : index
    %get3A_4 = arith.constant 0 : index
    %get3A_5 = vector.load %arg3[%get3A, %get3A_4] : memref<128x3200xf32, #tpu.memory_space<vmem>>, vector<128x3200xf32>
    %get3A_6 = arith.constant 0 : index
    %get3A_7 = arith.constant 0 : index
    %get3A_8 = arith.constant 0 : index
    %get3A_9 = vector.load %arg2[%get3A_6, %get3A_7, %get3A_8] : memref<1x1x128xi32, #tpu.memory_space<vmem>>, vector<1x1x128xi32>
    %get3A_10 = vector.shape_cast %get3A_9 : vector<1x1x128xi32> to vector<128xi32>
    %ne3A = arith.constant 0 : i32
    %ne3A_11 = vector.broadcast %ne3A : i32 to vector<128xi32>
    %ne3A_12 = arith.cmpi ne, %get3A_10, %ne3A_11 : vector<128xi32>
    %convert_element_type3A_13 = arith.extui %ne3A_12 : vector<128xi1> to vector<128xi32>
    %convert_element_type3A_14 = arith.sitofp %convert_element_type3A_13 : vector<128xi32> to vector<128xf32>
    %reduce_sum3A = arith.constant dense<0.000000e+00> : vector<128xf32>
    %reduce_sum3A_15 = vector.multi_reduction <add>, %get3A_5, %reduce_sum3A [1] : vector<128x3200xf32> to vector<128xf32>
    %mul3A = arith.mulf %reduce_sum3A_15, %convert_element_type3A_14 : vector<128xf32>
    %reduce_sum3A_16 = vector.shape_cast %mul3A : vector<128xf32> to vector<1x128xf32>
    %reduce_sum3A_17 = arith.constant dense<0.000000e+00> : vector<1xf32>
    %reduce_sum3A_18 = vector.multi_reduction <add>, %reduce_sum3A_16, %reduce_sum3A_17 [1] : vector<1x128xf32> to vector<1xf32>
    %reduce_sum3A_19 = vector.shape_cast %reduce_sum3A_18 : vector<1xf32> to vector<1x1xf32>
    %reduce_sum3A_20 = vector.extract %reduce_sum3A_19[0, 0] : f32 from vector<1x1xf32>
    %slice3A = vector.extract_strided_slice %get3A_5 {offsets = [0, 0], sizes = [128, 1], strides = [1, 1]} : vector<128x3200xf32> to vector<128x1xf32>
    %squeeze3A = vector.shape_cast %slice3A : vector<128x1xf32> to vector<128xf32>
    %mul3A_21 = arith.mulf %squeeze3A, %convert_element_type3A_14 : vector<128xf32>
    %reduce_sum3A_22 = vector.shape_cast %mul3A_21 : vector<128xf32> to vector<1x128xf32>
    %reduce_sum3A_23 = arith.constant dense<0.000000e+00> : vector<1xf32>
    %reduce_sum3A_24 = vector.multi_reduction <add>, %reduce_sum3A_22, %reduce_sum3A_23 [1] : vector<1x128xf32> to vector<1xf32>
    %reduce_sum3A_25 = vector.shape_cast %reduce_sum3A_24 : vector<1xf32> to vector<1x1xf32>
    %reduce_sum3A_26 = vector.extract %reduce_sum3A_25[0, 0] : f32 from vector<1x1xf32>
    %mul3A_27 = arith.constant 3.12519524E-6 : f32
    %mul3A_28 = arith.mulf %reduce_sum3A_26, %mul3A_27 : f32
    %reduce_sum3A_29 = vector.shape_cast %convert_element_type3A_14 : vector<128xf32> to vector<1x128xf32>
    %reduce_sum3A_30 = arith.constant dense<0.000000e+00> : vector<1xf32>
    %reduce_sum3A_31 = vector.multi_reduction <add>, %reduce_sum3A_29, %reduce_sum3A_30 [1] : vector<1x128xf32> to vector<1xf32>
    %reduce_sum3A_32 = vector.shape_cast %reduce_sum3A_31 : vector<1xf32> to vector<1x1xf32>
    %reduce_sum3A_33 = vector.extract %reduce_sum3A_32[0, 0] : f32 from vector<1x1xf32>
    %mul3A_34 = arith.constant -1.3624258 : f32
    %mul3A_35 = arith.mulf %reduce_sum3A_33, %mul3A_34 : f32
    %add3A = arith.addf %mul3A_28, %mul3A_35 : f32
    %eq3A_36 = arith.constant 0 : i32
    %eq3A_37 = arith.cmpi eq, %arg1, %eq3A_36 : i32
    %jit3A = arith.constant 0.000000e+00 : f32
    %select_n3A = arith.select %eq3A_37, %add3A, %jit3A : f32
    %get3A_38 = arith.constant 0 : index
    %get3A_39 = arith.constant 0 : index
    %get3A_40 = memref.load %arg4[%get3A_38, %get3A_39] : memref<1x1xf32, #tpu.memory_space<smem>>
    %mul3A_41 = arith.constant 3.12519524E-6 : f32
    %mul3A_42 = arith.mulf %mul3A_41, %reduce_sum3A_20 : f32
    %sub3A = arith.subf %select_n3A, %mul3A_42 : f32
    %add3A_43 = arith.addf %get3A_40, %sub3A : f32
    %swap3A = arith.constant 0 : index
    %swap3A_44 = arith.constant 0 : index
    %swap3A_45 = memref.load %arg4[%swap3A, %swap3A_44] : memref<1x1xf32, #tpu.memory_space<smem>>
    memref.store %add3A_43, %arg4[%swap3A, %swap3A_44] : memref<1x1xf32, #tpu.memory_space<smem>>
    return
  }
  func.func @transform_0(%arg0: i32, %arg1: i32) -> (i32, i32, i32) {
    %c0_i32 = arith.constant 0 : i32
    %c0_i32_0 = arith.constant 0 : i32
    %c0_i32_1 = arith.constant 0 : i32
    return %arg0, %c0_i32, %c0_i32_0 : i32, i32, i32
  }
  func.func @transform_1(%arg0: i32, %arg1: i32) -> (i32, i32) {
    %c0_i32 = arith.constant 0 : i32
    return %arg0, %arg1 : i32, i32
  }
  func.func @transform_2(%arg0: i32, %arg1: i32) -> (i32, i32) {
    %c0_i32 = arith.constant 0 : i32
    %c0_i32_0 = arith.constant 0 : i32
    %c0_i32_1 = arith.constant 0 : i32
    return %c0_i32, %c0_i32_0 : i32, i32
  }
}

</mosaic_0001>

<sc_bundles>
// kernel: kernel.4.cloned.1.call-start
scs
__scs_entry_jumppad:
0x0: {  	(pc) =	sbr.rel $0x88, $3  }
0x1: {  	(tag) =	ssettag $0x0;
	lr =	simm.s32 $0x1  }
0x2: {  	[smem:$0x3F9F] =	sst lr;
	_ =	strace $0xD0000000  }
0x3: {  	_ = 	snop  }
0x4: {  	_ = 	snop  }
0x5: {  	_ = 	snop  }
0x6: {  	_ = 	snop  }
0x7: {  	_ = 	snop  }
__scs_overlays_trampoline_lowered:
0x8: {  	[smem:$0x3FAE] =	sst s0  }
0x9: {  	[smem:$0x3FAF] =	sst s1  }
0xa: {  	[smem:$0x3FB0] =	sst s2  }
0xb: {  	[smem:$0x3FB1] =	sst s3  }
0xc: {  	[smem:$0x3FB2] =	sst s4  }
0xd: {  	[smem:$0x3FB3] =	sst s5  }
0xe: {  	[smem:$0x3FB4] =	sst s6  }
0xf: {  	[smem:$0x3FB5] =	sst s7  }
0x10: {  	[smem:$0x3FB6] =	sst s8  }
0x11: {  	[smem:$0x3FB7] =	sst s9;
	s0 =	simm.s32 @!p0 $0x0  }
0x12: {  	s1 =	sld [smem:$0x3F9D];
	s0 =	simm.s32 @p0 $0x1  }
0x13: {  	[smem:$0x3FB8] =	sst s0;
	s0 =	simm.s32 @!p1 $0x0  }
0x14: {  	s2 =	sld [smem:$0x3F9C];
	s0 =	simm.s32 @p1 $0x1  }
0x15: {  	[smem:$0x3FB9] =	sst s0;
	s0 =	simm.s32 @!p2 $0x0  }
0x16: {  	s3 =	sld [smem:$0x3FDB];
	s0 =	simm.s32 @p2 $0x1  }
0x17: {  	s4 =	simm.s32 $0x1BF5;
	[smem:$0x3FBB] =	sst s0  }
0x18: {  	s0 =	sld [smem:$0x3F9E];
	_ =	swait.ge [sflag:s4], $0x0  }
0x19: {  	s7 =	sld [smem:$0x3F9F]  }
0x1a: {  	s8 =	sadd.s32 $0xFFFFE003, lr  }
0x1b: {  	s9 =	sadd.s32 $0xFFFFFEF7, lr;
	s5 =	simm.s32 $0xFFFFFFFF;
	p2 =	slt.u32 s8, $0xFFFFF086  }
0x1c: {  	p1 =	slt.u32 s9, $0xF7A;
	s5 =	simm.s32 @!p2 $0x0  }
0x1d: {  	s5 =	simm.s32 @p1 $0x1;
	p0 =	seq.s32 s7, s2  }
0x1e: {  	s7 =	smul.u32 @!p0 $0xF7A, s2;
	p2 =	seq.s32 @!p0 s5, $0x0  }
0x1f: {  	s9 =	smul.u32 $0xF7A, s1;
	s8 =	simm.s32 @!p0 $0x1BF5;
	p2 =	por !p2, p0  }
0x20: {  	[sflag:s8] =	ssyncset.s32 @!p0 $0xFFFFF086;
	s6 =	sadd.s32 @!p0 s3, s7;
	s7 =	simm.s32 @!p0 $0x108  }
0x21: {  	s3 =	sadd.s32 s3, s9;
	s6 =	sadd.s32 @!p0 $0x88, s6;
	s7 =	simm.s32 @p2 $0x1082  }
0x22: {  	[simem:s7], [sflag:s8] =	dma.local @!p0 [hbm:s6], $0xF7A  }
0x23: {  	s9 =	sor.u32 $0xD0000000, s2;
	s6 =	simm.s32 $0x108;
	_ =	swait.ge @!p0 [sflag:s8], $0x0  }
0x24: {  	s3 =	sadd.s32 $0x88, s3;
	s6 =	simm.s32 @!p1 $0x1082;
	[sflag:s4] =	ssyncset.s32 $0xFFFFF086  }
0x25: {  	[simem:s6], [sflag:s4] =	dma.local [hbm:s3], $0xF7A  }
0x26: {  	[smem:$0x3F9F] =	sst s1;
	(tag) =	ssettag s2;
	_ =	strace s9  }
0x27: {  	s1 =	sld [smem:$0x3FAF]  }
0x28: {  	s2 =	sld [smem:$0x3FB0]  }
0x29: {  	s4 =	sld [smem:$0x3FB2]  }
0x2a: {  	p0 =	seq.s32 s5, $0x0;
	s5 =	sld [smem:$0x3FB3]  }
0x2b: {  	s6 =	sld [smem:$0x3FB4]  }
0x2c: {  	s7 =	sld [smem:$0x3FB5]  }
0x2d: {  	s3 =	simm.s32 $0x108;
	s8 =	sld [smem:$0x3FB6]  }
0x2e: {  	s3 =	simm.s32 @!p0 $0x1082;
	s9 =	sld [smem:$0x3FB7]  }
0x2f: {  	lr =	sadd.s32 s0, s3;
	s0 =	sld [smem:$0x3FAE]  }
0x30: {  	s3 =	sld [smem:$0x3FB1]  }
0x31: {  	[smem:$0x3FBA] =	sst s10  }
0x32: {  	s10 =	sld [smem:$0x3FB8];
	_ =	sdelay $0x3  }
0x33: {  	p0 =	seq.s32 s10, $0x1;
	s10 =	sld [smem:$0x3FBA];
	_ =	sdelay $0x3  }
0x34: {  	[smem:$0x3FBA] =	sst s10  }
0x35: {  	s10 =	sld [smem:$0x3FB9];
	_ =	sdelay $0x3  }
0x36: {  	p1 =	seq.s32 s10, $0x1;
	s10 =	sld [smem:$0x3FBA];
	_ =	sdelay $0x3  }
0x37: {  	[smem:$0x3FBA] =	sst s10  }
0x38: {  	s10 =	sld [smem:$0x3FBB]  }
0x39: {  	_ = 	snop;
	(pc) =	sbr.ind lr, $3  }
0x3a: {  	_ = 	snop  }
0x3b: {  	_ = 	snop  }
0x3c: {  	p2 =	seq.s32 s10, $0x1;
	s10 =	sld [smem:$0x3FBA]  }
0x3d: {  	_ =	shalt  }
0x3e: {  	_ =	shalt  }
0x3f: {  	_ =	shalt  }
0x40: {  	_ =	shalt  }
0x41: {  	_ =	shalt  }
0x42: {  	_ =	shalt  }
0x43: {  	_ =	shalt  }
0x44: {  	_ =	shalt  }
0x45: {  	_ =	shalt  }
0x46: {  	_ =	shalt  }
0x47: {  	_ =	shalt  }
0x48: {  	_ =	shalt  }
0x49: {  	_ =	shalt  }
0x4a: {  	_ =	shalt  }
0x4b: {  	_ =	shalt  }
0x4c: {  	_ =	shalt  }
0x4d: {  	_ =	shalt  }
0x4e: {  	_ =	shalt  }
0x4f: {  	_ =	shalt  }
0x50: {  	_ =	shalt  }
0x51: {  	_ =	shalt  }
0x52: {  	_ =	shalt  }
0x53: {  	_ =	shalt  }
0x54: {  	_ =	shalt  }
0x55: {  	_ =	shalt  }
0x56: {  	_ =	shalt  }
0x57: {  	_ =	shalt  }
0x58: {  	_ =	shalt  }
0x59: {  	_ =	shalt  }
0x5a: {  	_ =	shalt  }
0x5b: {  	_ =	shalt  }
0x5c: {  	_ =	shalt  }
0x5d: {  	_ =	shalt  }
0x5e: {  	_ =	shalt  }
0x5f: {  	_ =	shalt  }
0x60: {  	_ =	shalt  }
0x61: {  	_ =	shalt  }
0x62: {  	_ =	shalt  }
0x63: {  	_ =	shalt  }
0x64: {  	_ =	shalt  }
0x65: {  	_ =	shalt  }
0x66: {  	_ =	shalt  }
0x67: {  	_ =	shalt  }
0x68: {  	_ =	shalt  }
0x69: {  	_ =	shalt  }
0x6a: {  	_ =	shalt  }
0x6b: {  	_ =	shalt  }
0x6c: {  	_ =	shalt  }
0x6d: {  	_ =	shalt  }
0x6e: {  	_ =	shalt  }
0x6f: {  	_ =	shalt  }
0x70: {  	_ =	shalt  }
0x71: {  	_ =	shalt  }
0x72: {  	_ =	shalt  }
0x73: {  	_ =	shalt  }
0x74: {  	_ =	shalt  }
0x75: {  	_ =	shalt  }
0x76: {  	_ =	shalt  }
0x77: {  	_ =	shalt  }
0x78: {  	_ =	shalt  }
0x79: {  	_ =	shalt  }
0x7a: {  	_ =	shalt  }
0x7b: {  	_ =	shalt  }
0x7c: {  	_ =	shalt  }
0x7d: {  	_ =	shalt  }
0x7e: {  	_ =	shalt  }
0x7f: {  	_ =	shalt  }
0x80: {  	_ =	shalt  }
0x81: {  	_ =	shalt  }
0x82: {  	_ =	shalt  }
0x83: {  	_ =	shalt  }
0x84: {  	_ =	shalt  }
0x85: {  	_ =	shalt  }
0x86: {  	_ =	shalt  }
0x87: {  	_ =	shalt  }
.Lfunc_end0:
.L_simem_size_0:
called_computation_lowered:
.L_overlay_start_0:
0x88: {  	s2 =	sld [smem:$0x3FD9]  }
0x89: {  	s3 =	sld [smem:$0x3FFE];
	_ =	sdelay $0x1  }
0x8a: {  	s1 =	srdreg.scid  }
0x8b: {  	s0 =	sand.u32 $0x1, s1  }
0x8c: {  	s17 =	sshll.u32 s0, $0xA;
	s2 =	sadd.s32 s3, s2  }
0x8d: {  	s2 =	sadd.s32 s2, s17  }
0x8e: {  	[smem:$0x3FC6] =	sst s2  }
0x8f: {  	_ = 	snop  }
0x90: {  	s2 =	sld [smem:$0x3FC8];
	(tm) =	ssettm $0x1  }
0x91: {  	s18 =	sld [smem:$0x3FFB];
	_ =	sdelay $0x3  }
0x92: {  	_ =	strace s18  }
0x93: {  	s3 =	sld [smem:$0x3FFC];
	_ =	sdelay $0x3  }
0x94: {  	_ =	strace s3  }
0x95: {  	s3 =	sld [smem:$0x3FFD];
	_ =	sdelay $0x3  }
0x96: {  	_ =	strace s3  }
0x97: {  	_ =	strace $0x8FFFFFFF  }
0x98: {  	s19 =	sld [smem:$0x3FDB];
	_ =	sdelay $0x1  }
0x99: {  	s4 =	simm.s32 $_scs_section_size  }
0x9a: {  	s5 =	simm.s32 $_size__tile_overlayer_lowered;
	s6 =	simm.s32 $_tile_overlayer_lowered  }
0x9b: {  	s22 =	simm.s32 $0x1BFF;
	s21 =	sshll.u32 s6, $0x1;
	s3 =	sadd.s32 s4, s19  }
0x9c: {  	s7 =	simm.s32 $0x0;
	s20 =	sshll.u32 s5, $0x1;
	s5 =	sadd.s32 s21, s3  }
0x9d: {  	[timem:s7], [sflag:s22] =	dma.local [hbm:s5], s20  }
0x9e: {  	_ =	swait.ge [sflag:s22], s20  }
0x9f: {  	s4 =	ssub.s32 $0x0, s20;
	[sflag:s22] =	ssyncset.done $0x0  }
0xa0: {  	[sflag:s22] =	ssyncadd.s32 s4;
	_ =	sdelay $0x1  }
0xa1: {  	s23 =	simm.s32 $0x1B8B  }
0xa2: {  	_ =	swait.ge [sflag:s23], $0x1  }
0xa3: {  	[sflag:s23] =	ssyncset.done $0x0  }
0xa4: {  	s25 =	simm.s32 $0x1B8E;
	s24 =	sld [smem:$0x3FFE];
	[sflag:s23] =	ssyncadd.s32 $0xFFFFFFFF  }
0xa5: {  	s26 =	simm.s32 $execute0_lowered;
	[smem:$0x3FD2] =	sst s25  }
0xa6: {  	s5 =	sshll.u32 s26, $0x1;
	_ =	strace $0x80000046;
	[dreg:$0x1] =	wrdreg $0xFFFFFFFF  }
0xa7: {  	s28 =	simm.s32 $_size_execute0_lowered;
	s3 =	sadd.s32 s3, s5;
	[dreg:$0x0] =	wrdreg $0x0  }
0xa8: {  	s5 =	sshll.u32 s28, $0x1;
	[dreg:$0x2] =	wrdreg s3  }
0xa9: {  	[dreg:$0x3] =	wrdreg s5  }
0xaa: {  	[dreg:$0x4] =	wrdreg $0xC0  }
0xab: {  	_ =	task [dreg:s7], $0x5FFFF  }
0xac: {  	[dreg:$0x1] =	wrdreg $0xFFFFFFFF  }
0xad: {  	[dreg:$0x0] =	wrdreg $0x60  }
0xae: {  	[dreg:$0x2] =	wrdreg s24  }
0xaf: {  	[dreg:$0x3] =	wrdreg s2  }
0xb0: {  	[dreg:$0x4] =	wrdreg $0x9  }
0xb1: {  	_ =	task.clear_ibuf [dreg:s7], $0x5FFFF;
	_ =	strace $0x90000046  }
0xb2: {  	s29 =	simm.s32 $0x9;
	_ =	strace $0x80000048  }
0xb3: {  	_ =	swait.ge [sflag:s29], $0x1  }
0xb4: {  	[sflag:s29] =	ssyncadd.s32 $0xFFFFFFFF  }
0xb5: {  	_ =	strace $0x90000048  }
0xb6: {  	_ =	sfence  }
0xb7: {  	s30 =	sld [smem:$0x0];
	_ =	sdelay $0x2  }
0xb8: {  	s31 =	sshll.u32 s1, $0xD;
	s1 =	sshrl.u32 s1, $0x2  }
0xb9: {  	s3 =	sand.u32 $0x4000, s31;
	s1 =	sadd.s32 s1, s30  }
0xba: {  	s0 =	sor.u32 s3, s0;
	s1 =	sshll.u32 s1, $0x11  }
0xbb: {  	s0 =	sor.u32 s1, s0  }
0xbc: {  	s0 =	sadd.s32 $0x8F2B, s0  }
0xbd: {  	[sflag:s0] =	ssyncadd.remote.s32 $0x1  }
0xbe: {  	_ =	sfence.sel $0xFFFF  }
0xbf: {  	[dreg:$0x0] =	wrdreg $0xFFFFFFFF;
	(pc) =	sbr.abs _section_cstart, $3  }
0xc0: {  	[dreg:$0x1] =	wrdreg $0xFFFFFFFF  }
0xc1: {  	_ =	task.clear_ibuf [dreg:s7], $0x2FFFF;
	_ =	strace $0x9FFFFFFF  }
0xc2: {  	(tm) =	ssettm $0x7FFFFFFF  }
0xc3: {  	_ =	shalt  }
tec
execute0_lowered:
.L_overlay_start_1:
0x0: {  	(tag) =	ssettag $0x1  }
0x1: {  	s9 =	rddreg [dreg:$0x0];
	s1 =	srdreg.scid  }
0x2: {  	s0 =	stileid.u32;
	s3 =	rddreg [dreg:$0x1];
	s2 =	simm.s32 $0x0  }
0x3: {  	s11 =	sand.u32 $0x1, s1;
	s4 =	sshll.u32 s0, $0x1;
	s1 =	rddreg [dreg:$0x2]  }
0x4: {  	[smem:$0x7FF] =	sst s2;
	s4 =	sor.u32 s11, s4  }
0x5: {  	_ =	strace $0x80000047;
	s5 =	sshll.u32 s4, $0x7;
	s10 =	sshll.u32 s4, $0x4  }
0x6: {  	s4 =	sadd.s32 s3, s10;
	s7 =	sor.u32 $0x10, s5;
	s3 =	simm.s32 $0x2  }
0x7: {  	v8 =	vlaneseq.u32;
	[tilespmem:s2], [sflag:$0x2] =	stream.linear.gather [hbm4b:s4+s2], $0x80, $0x38;
	[tilespmem:$0x4180] =	vst v63  }
0x8: {  	v7 =	vmul.u32 $0xFA, v8;
	s6 =	sor.u32 $0x20, s5;
	v1 =	vmov s5;
	v2 =	vmov s7;
	_ =	swait.ge [sflag:s3], $0x80  }
0x9: {  	s30 =	sor.u32 $0x30, s5;
	s8 =	sor.u32 $0x60, s5;
	v0 =	vmov s6;
	v1 =	vmul.u32 $0xFA, v1;
	v2 =	vmul.u32 $0xFA, v2;
	[sflag:s3] =	ssyncset.done $0x0  }
0xa: {  	s29 =	sor.u32 $0x70, s5;
	v3 =	vmov s30;
	v4 =	vmov s8;
	v0 =	vmul.u32 $0xFA, v0;
	[sflag:s3] =	ssyncadd.s32 $0xFFFFFF80  }
0xb: {  	s31 =	sor.u32 $0x50, s5;
	v9 =	vbroadcast v1, $0x0;
	v1 =	vmov s29;
	v5 =	vbroadcast v2, $0x0;
	v2 =	vld [tilespmem:$0x70]  }
0xc: {  	v10 =	vmov s31;
	v3 =	vmul.u32 $0xFA, v3;
	v1 =	vmul.u32 $0xFA, v1;
	v6 =	vld [tilespmem:$0x60]  }
0xd: {  	s5 =	sor.u32 $0x40, s5;
	v4 =	vmul.u32 $0xFA, v4;
	v10 =	vmul.u32 $0xFA, v10;
	v0 =	vbroadcast v0, $0x0;
	v11 =	vld [tilespmem:$0x50]  }
0xe: {  	v12 =	vmov s5;
	v14 =	vbroadcast v3, $0x0;
	v13 =	vld [tilespmem:$0x30];
	v1 =	vbroadcast v1, $0x0  }
0xf: {  	v12 =	vmul.u32 $0xFA, v12;
	v3 =	vbroadcast v4, $0x0;
	v4 =	vbroadcast v10, $0x0;
	v15 =	vld [tilespmem:$0x20]  }
0x10: {  	v10 =	vld [tilespmem:$0x10];
	v0 =	vadd.s32 v7, v0;
	v1 =	vadd.s32 v7, v1;
	v16 =	vshra.s32 v2, $0x7  }
0x11: {  	v17 =	vld [tilespmem:$0x40];
	v2 =	vadd.s32 v7, v3;
	v6 =	vshra.s32 v6, $0x7;
	v16 =	vadd.s32 v16, v1  }
0x12: {  	v18 =	vld [tilespmem:$0x0];
	v3 =	vadd.s32 v7, v4;
	v11 =	vshra.s32 v11, $0x7;
	v6 =	vadd.s32 v6, v2;
	[tilespmem:$0xF0] =	vst v16  }
0x13: {  	v4 =	vadd.s32 v7, v14;
	v13 =	vshra.s32 v13, $0x7;
	v11 =	vadd.s32 v11, v3;
	[tilespmem:$0xE0] =	vst v6  }
0x14: {  	v13 =	vadd.s32 v13, v4;
	v6 =	vbroadcast v12, $0x0;
	v12 =	vshra.s32 v15, $0x7;
	[tilespmem:$0xD0] =	vst v11  }
0x15: {  	v5 =	vadd.s32 v7, v5;
	v10 =	vshra.s32 v10, $0x7;
	[tilespmem:$0xB0] =	vst v13;
	v11 =	vadd.s32 v12, v0  }
0x16: {  	v10 =	vadd.s32 v10, v5;
	v6 =	vadd.s32 v7, v6;
	[tilespmem:$0xA0] =	vst v11;
	v11 =	vshra.s32 v17, $0x7  }
0x17: {  	[tilespmem:$0x90] =	vst v10;
	v7 =	vadd.s32 v7, v9;
	v9 =	vshra.s32 v18, $0x7;
	v10 =	vadd.s32 v11, v6  }
0x18: {  	s5 =	sadd.s32 $0x200, s9;
	v9 =	vadd.s32 v9, v7;
	[tilespmem:$0xC0] =	vst v10  }
0x19: {  	s6 =	simm.s32 $0x80;
	s7 =	simm.s32 $0x100;
	s8 =	simm.s32 $0x1;
	[tilespmem:$0x80] =	vst v9  }
0x1a: {  	[tilespmem:s7], [sflag:$0x1] =	stream.indirect.gather [hbm4b:s5+s6], $0x80, s6, s6, $0xb8;
	[tilespmem:$0x4180] =	vst v63  }
0x1b: {  	_ =	swait.ge [sflag:s8], $0x4000  }
0x1c: {  	[sflag:s8] =	ssyncset.done $0x0  }
0x1d: {  	[sflag:s8] =	ssyncadd.s32 $0xFFFFC000  }
0x1e: {  	v16 =	vld [tilespmem:$0x0];
	_ =	sdelay $0x1  }
0x1f: {  	v17 =	vld [tilespmem:$0x10];
	_ =	sdelay $0x1  }
0x20: {  	v8 =	vmul.u32 $0x80, v8;
	v18 =	vld [tilespmem:$0x20]  }
0x21: {  	v9 =	vand.u32 $0x7F, v16  }
0x22: {  	v19 =	vld [tilespmem:$0x30];
	v12 =	vor.u32 v8, v9  }
0x23: {  	v10 =	vand.u32 $0x7F, v17;
	v9 =	vor.u32 $0x800, v8  }
0x24: {  	v20 =	vld [tilespmem:$0x40];
	v13 =	vor.u32 v9, v10  }
0x25: {  	v21 =	vld [tilespmem:$0x50];
	v11 =	vand.u32 $0x7F, v18;
	v10 =	vor.u32 $0x1000, v8  }
0x26: {  	v22 =	vld [tilespmem:$0x60];
	v23 =	vor.u32 v10, v11  }
0x27: {  	v14 =	vand.u32 $0x7F, v19;
	v11 =	vor.u32 $0x1800, v8;
	v24 =	vld.idx.msk [tilespmem:v12+s7+$0x0], $0xffff  }
0x28: {  	v25 =	vld [tilespmem:$0x70];
	v26 =	vor.u32 v11, v14  }
0x29: {  	v14 =	vand.u32 $0x7F, v20;
	v12 =	vor.u32 $0x2000, v8;
	v27 =	vld.idx.msk [tilespmem:v13+s7+$0x0], $0xffff  }
0x2a: {  	v15 =	vor.u32 $0x3800, v8;
	v28 =	vor.u32 v12, v14  }
0x2b: {  	v29 =	vand.u32 $0x7F, v21;
	v30 =	vand.u32 $0x7F, v22;
	v13 =	vor.u32 $0x2800, v8;
	v23 =	vld.idx.msk [tilespmem:v23+s7+$0x0], $0xffff  }
0x2c: {  	vm0 =	veq.s32 v16, $0x0;
	v29 =	vor.u32 v13, v29;
	v24 =	vadd.f32 $0.0e+00, v24  }
0x2d: {  	vm1 =	veq.s32 v17, $0x0;
	v16 =	vand.u32 $0x7F, v25;
	v14 =	vor.u32 $0x3000, v8;
	v26 =	vld.idx.msk [tilespmem:v26+s7+$0x0], $0xffff  }
0x2e: {  	v30 =	vor.u32 v14, v30;
	v61 =	vsel vm1, $0x0, v27;
	v17 =	vsel vm0, $0x0, v24  }
0x2f: {  	vm10 =	veq.s32 v18, $0x0;
	v16 =	vor.u32 v15, v16;
	v62 =	vld.idx.msk [tilespmem:v28+s7+$0x0], $0xffff;
	v17 =	vadd.f32 v61, v17  }
0x30: {  	s11 =	ssub.s32 $0x2, s11;
	v18 =	vsel vm10, $0x0, v23  }
0x31: {  	s12 =	sshrl.u32 s11, $0x1;
	vm11 =	veq.s32 v19, $0x0;
	v63 =	vld.idx.msk [tilespmem:v29+s7+$0x0], $0xffff;
	v17 =	vadd.f32 v18, v17  }
0x32: {  	s11 =	ssub.s32 s11, s12;
	v18 =	vsel vm11, $0x0, v26  }
0x33: {  	s11 =	smax.u32 s11, $0x1;
	vm12 =	veq.s32 v20, $0x0;
	v19 =	vld.idx.msk [tilespmem:v30+s7+$0x0], $0xffff;
	v17 =	vadd.f32 v18, v17  }
0x34: {  	p0 =	sne.s32 s11, $0x1;
	v16 =	vld.idx.msk [tilespmem:v16+s7+$0x0], $0xffff;
	v18 =	vsel vm12, $0x0, v62  }
.Ltmp0:
0x35: {  	vm13 =	veq.s32 v21, $0x0;
	v17 =	vadd.f32 v18, v17;
	(pc) =	sbr.rel @!p0 .LBB2_2-.Ltmp0, $4  }
0x36: {  	v18 =	vsel vm13, $0x0, v63  }
0x37: {  	vm14 =	veq.s32 v22, $0x0;
	v17 =	vadd.f32 v18, v17  }
0x38: {  	s9 =	sadd.s32 s10, s9;
	vm15 =	veq.s32 v25, $0x0;
	v18 =	vsel vm14, $0x0, v19  }
0x39: {  	s10 =	simm.s32 $0x4100;
	s9 =	sadd.s32 $0xFA0200, s9;
	s11 =	sadd.s32 $0xFFFFFFFF, s11;
	v16 =	vsel vm15, $0x0, v16;
	v17 =	vadd.f32 v18, v17  }
.LBB2_1:
0x3a: {  	p0 =	sne.s32 s11, $0x1;
	s11 =	sadd.s32 $0xFFFFFFFF, s11  }
0x3b: {  	v16 =	vadd.f32 v16, v17;
	_ =	sdelay $0x1  }
0x3c: {  	[tilespmem:$0x4100] =	vst v16  }
0x3d: {  	[hbm4b:s9+s2] =	stream.linear.scatter [tilespmem:s10], [sflag:$0x2], $0x80, $0x38;
	[tilespmem:$0x4180] =	vst v63  }
0x3e: {  	_ =	swait.ge [sflag:s3], $0x80  }
0x3f: {  	[sflag:s3] =	ssyncset.done $0x0  }
0x40: {  	[sflag:s3] =	ssyncadd.s32 $0xFFFFFF80;
	_ =	sdelay $0x1  }
0x41: {  	[tilespmem:s2], [sflag:$0x2] =	stream.linear.gather [hbm4b:s4+s2], $0x80, $0x38;
	[tilespmem:$0x4180] =	vst v63  }
0x42: {  	_ =	swait.ge [sflag:s3], $0x80  }
0x43: {  	[sflag:s3] =	ssyncset.done $0x0  }
0x44: {  	[sflag:s3] =	ssyncadd.s32 $0xFFFFFF80  }
0x45: {  	v16 =	vld [tilespmem:$0x70]  }
0x46: {  	v17 =	vld [tilespmem:$0x60]  }
0x47: {  	v18 =	vld [tilespmem:$0x50]  }
0x48: {  	v19 =	vld [tilespmem:$0x30]  }
0x49: {  	v20 =	vld [tilespmem:$0x20]  }
0x4a: {  	v21 =	vld [tilespmem:$0x10];
	v16 =	vshra.s32 v16, $0x7  }
0x4b: {  	v22 =	vld [tilespmem:$0x40];
	v17 =	vshra.s32 v17, $0x7;
	v16 =	vadd.s32 v16, v1  }
0x4c: {  	v23 =	vld [tilespmem:$0x0];
	v18 =	vshra.s32 v18, $0x7;
	v17 =	vadd.s32 v17, v2;
	[tilespmem:$0xF0] =	vst v16  }
0x4d: {  	v16 =	vshra.s32 v19, $0x7;
	v18 =	vadd.s32 v18, v3;
	[tilespmem:$0xE0] =	vst v17  }
0x4e: {  	v17 =	vshra.s32 v20, $0x7;
	v16 =	vadd.s32 v16, v4;
	[tilespmem:$0xD0] =	vst v18  }
0x4f: {  	v18 =	vshra.s32 v21, $0x7;
	v17 =	vadd.s32 v17, v0;
	[tilespmem:$0xB0] =	vst v16  }
0x50: {  	v16 =	vadd.s32 v18, v5;
	[tilespmem:$0xA0] =	vst v17;
	v17 =	vshra.s32 v22, $0x7  }
0x51: {  	v18 =	vshra.s32 v23, $0x7;
	[tilespmem:$0x90] =	vst v16;
	v16 =	vadd.s32 v17, v6  }
0x52: {  	v17 =	vadd.s32 v18, v7;
	[tilespmem:$0xC0] =	vst v16  }
0x53: {  	[tilespmem:$0x80] =	vst v17  }
0x54: {  	[tilespmem:s7], [sflag:$0x1] =	stream.indirect.gather [hbm4b:s5+s6], $0x80, s6, s6, $0xb8;
	[tilespmem:$0x4180] =	vst v63  }
0x55: {  	_ =	swait.ge [sflag:s8], $0x4000  }
0x56: {  	[sflag:s8] =	ssyncset.done $0x0  }
0x57: {  	[sflag:s8] =	ssyncadd.s32 $0xFFFFC000  }
0x58: {  	v16 =	vld [tilespmem:$0x0]  }
0x59: {  	v17 =	vld [tilespmem:$0x10]  }
0x5a: {  	v18 =	vld [tilespmem:$0x20]  }
0x5b: {  	v19 =	vld [tilespmem:$0x30]  }
0x5c: {  	v20 =	vld [tilespmem:$0x40]  }
0x5d: {  	v21 =	vand.u32 $0x7F, v16;
	v22 =	vld [tilespmem:$0x50]  }
0x5e: {  	v21 =	vor.u32 v8, v21;
	v23 =	vand.u32 $0x7F, v17;
	v24 =	vld [tilespmem:$0x60]  }
0x5f: {  	v23 =	vor.u32 v9, v23;
	v25 =	vand.u32 $0x7F, v18;
	v26 =	vld [tilespmem:$0x70]  }
0x60: {  	v25 =	vor.u32 v10, v25;
	v27 =	vand.u32 $0x7F, v19  }
0x61: {  	v27 =	vor.u32 v11, v27;
	v28 =	vand.u32 $0x7F, v20  }
0x62: {  	v28 =	vor.u32 v12, v28;
	v29 =	vand.u32 $0x7F, v22  }
0x63: {  	v21 =	vld.idx.msk [tilespmem:v21+s7+$0x0], $0xffff;
	v29 =	vor.u32 v13, v29;
	v30 =	vand.u32 $0x7F, v24  }
0x64: {  	v23 =	vld.idx.msk [tilespmem:v23+s7+$0x0], $0xffff;
	v30 =	vor.u32 v14, v30;
	v31 =	vand.u32 $0x7F, v26  }
0x65: {  	v25 =	vld.idx.msk [tilespmem:v25+s7+$0x0], $0xffff;
	v31 =	vor.u32 v15, v31  }
0x66: {  	v27 =	vld.idx.msk [tilespmem:v27+s7+$0x0], $0xffff  }
0x67: {  	v28 =	vld.idx.msk [tilespmem:v28+s7+$0x0], $0xffff  }
0x68: {  	v29 =	vld.idx.msk [tilespmem:v29+s7+$0x0], $0xffff  }
0x69: {  	v21 =	vadd.f32 $0.0e+00, v21  }
0x6a: {  	vm0 =	veq.s32 v16, $0x0;
	vm1 =	veq.s32 v17, $0x0;
	v16 =	vld.idx.msk [tilespmem:v31+s7+$0x0], $0xffff  }
0x6b: {  	v17 =	vsel vm0, $0x0, v21;
	v21 =	vsel vm1, $0x0, v23  }
0x6c: {  	vm0 =	veq.s32 v18, $0x0;
	v17 =	vadd.f32 v21, v17  }
0x6d: {  	v18 =	vsel vm0, $0x0, v25  }
0x6e: {  	vm0 =	veq.s32 v19, $0x0;
	v17 =	vadd.f32 v18, v17  }
0x6f: {  	v18 =	vsel vm0, $0x0, v27;
	vm0 =	veq.s32 v26, $0x0;
	v19 =	vld.idx.msk [tilespmem:v30+s7+$0x0], $0xffff  }
0x70: {  	vm1 =	veq.s32 v20, $0x0;
	v17 =	vadd.f32 v18, v17;
	v16 =	vsel vm0, $0x0, v16  }
0x71: {  	v18 =	vsel vm1, $0x0, v28  }
.Ltmp1:
0x72: {  	vm0 =	veq.s32 v22, $0x0;
	v17 =	vadd.f32 v18, v17;
	(pc) =	sbr.rel @p0 .LBB2_1-.Ltmp1, $4  }
0x73: {  	v18 =	vsel vm0, $0x0, v29  }
0x74: {  	vm0 =	veq.s32 v24, $0x0;
	v17 =	vadd.f32 v18, v17  }
0x75: {  	v18 =	vsel vm0, $0x0, v19  }
0x76: {  	v17 =	vadd.f32 v18, v17  }
.LBB2_2:
0x77: {  	_ = 	snop  }
0x78: {  	v0 =	vadd.f32 v16, v17;
	_ =	sdelay $0x1  }
0x79: {  	[tilespmem:$0x4100] =	vst v0  }
0x7a: {  	[hbm4b:s9+s2] =	stream.linear.scatter [tilespmem:s10], [sflag:$0x2], $0x80, $0x38;
	[tilespmem:$0x4180] =	vst v63  }
0x7b: {  	_ =	swait.ge [sflag:s3], $0x80  }
0x7c: {  	[sflag:s3] =	ssyncset.done $0x0  }
0x7d: {  	[sflag:s3] =	ssyncadd.s32 $0xFFFFFF80  }
0x7e: {  	_ =	sfence.sel $0x180000  }
0x7f: {  	[bflag:$0x0] =	sbarrier.arrive $0xFFFF  }
0x80: {  	p0 =	sne.s32 s0, $0x0;
	_ =	strace $0x90000047  }
0x81: {  	s0 =	sadd.s32 @!p0 $0x100000, s1;
	[bflag:$0x2] =	sbarrier.arrive $0xFFFF  }
0x82: {  	[sflag:s0] =	ssyncadd.tile.s32 @!p0 $0x1;
	_ =	shalt  }
.Lfunc_end2:
_tile_overlayer_lowered:
.L_overlay_start_2:
0x83: {  	(tag) =	ssettag $0x2  }
0x84: {  	s0 =	rddreg [dreg:$0x0];
	s2 =	stileid.u32  }
0x85: {  	s1 =	rddreg [dreg:$0x1];
	p0 =	sne.s32 s2, $0x0  }
0x86: {  	s3 =	rddreg [dreg:$0x2];
	[bflag:$0x3] =	sbarrier.arrive $0xFFFF;
	s2 =	simm.s32 @!p0 $0x1C02  }
0x87: {  	[timem:s3], [sflag:s2] =	dma.local @!p0 [hbm:s0], s1  }
0x88: {  	s0 =	simm.s32 @!p0 $0x2  }
0x89: {  	_ =	swait.ge @!p0 [sflag:s0], s1  }
0x8a: {  	s1 =	ssub.s32 @!p0 $0x0, s1;
	[sflag:s0] =	ssyncset.done @!p0 $0x0  }
0x8b: {  	[sflag:s0] =	ssyncadd.s32 @!p0 s1  }
0x8c: {  	[bflag:$0x3] =	sbarrier.arrive $0xFFFF  }
0x8d: {  	_ =	shalt  }

</sc_bundles>
